<compile_context>
chip_gen: v7x
topology: tpu7x:2x2x1
jax: 0.10.2.dev20260603
libtpu: 0.0.44.dev20260713+nightly
codegen_flags: <defaults>
</compile_context>

<pallas_src>
import jax
import jax.numpy as jnp
from jax.experimental import pallas as pl

_B, _N = 4, 512
_IN_NF, _IN_EF, _OUT_F = 16, 8, 16
_PACK = 16
_RR = _N // _PACK
_TI = 64


def _fused_kernel(wp_ref, ap_ref, xp_ref, bd1_ref, b1_ref, bd2_ref, b2_ref,
                  bdn1_ref, bn1_ref, bdn2_ref, bn2_ref, e_ref, f_ref,
                  wout_ref, xout_ref):
    ti = _TI
    wp = wp_ref[0].reshape(ti * _RR, _PACK * _IN_EF)
    h = jnp.maximum(
        jnp.dot(wp, bd1_ref[...], preferred_element_type=jnp.float32)
        + b1_ref[...], 0.0)
    wnp = jnp.maximum(
        jnp.dot(h, bd2_ref[...], preferred_element_type=jnp.float32)
        + b2_ref[...], 0.0)
    wout_ref[0] = wnp.reshape(ti, _RR, _PACK * _OUT_F)

    xp = xp_ref[0]
    h1 = jnp.maximum(
        jnp.dot(xp, bdn1_ref[...], preferred_element_type=jnp.float32)
        + bn1_ref[...], 0.0)
    x1p = jnp.maximum(
        jnp.dot(h1, bdn2_ref[...], preferred_element_type=jnp.float32)
        + bn2_ref[...], 0.0)

    ap = ap_ref[0]
    s1 = jnp.sum(ap, axis=1)
    asum = jnp.sum(s1, axis=1, keepdims=True)
    inv = jnp.where(asum == 0.0, 0.0, 1.0 / asum)
    aexp = jnp.dot(ap.reshape(ti * _RR, _PACK), e_ref[...],
                   preferred_element_type=jnp.float32)
    t = wnp.reshape(ti, _RR, _PACK * _OUT_F) \
        * aexp.reshape(ti, _RR, _PACK * _OUT_F) * x1p[None]
    red = jnp.sum(t, axis=1)
    xnew = jnp.dot(red, f_ref[...],
                   preferred_element_type=jnp.float32) * inv
    xout_ref[0] = xnew


@jax.jit
def kernel(A, W, x, We1, be1, We2, be2, Wn1, bn1, Wn2, bn2):
    f32 = jnp.float32
    wp = W.reshape(_B, _N, _RR, _PACK * _IN_EF)
    ap = A.reshape(_B, _N, _RR, _PACK)
    xp = x.reshape(_B, _RR, _PACK * _IN_NF)

    eye = jnp.eye(_PACK, dtype=f32)
    bd1 = jnp.kron(eye, We1[:_IN_EF])
    bd2 = jnp.kron(eye, We2)
    bdn1 = jnp.kron(eye, Wn1)
    bdn2 = jnp.kron(eye, Wn2)
    b1 = jnp.tile(be1, _PACK)[None]
    b2 = jnp.tile(be2, _PACK)[None]
    bn1t = jnp.tile(bn1, _PACK)[None]
    bn2t = jnp.tile(bn2, _PACK)[None]
    sel_e = jnp.kron(eye, jnp.ones((1, _OUT_F), f32))
    sel_f = jnp.kron(jnp.ones((_PACK, 1), f32),
                     jnp.eye(_OUT_F, dtype=f32))

    const = lambda *shape: pl.BlockSpec(shape, lambda b, i: (0,) * len(shape))
    wout, xout = pl.pallas_call(
        _fused_kernel,
        grid=(_B, _N // _TI),
        in_specs=[
            pl.BlockSpec((1, _TI, _RR, _PACK * _IN_EF),
                         lambda b, i: (b, i, 0, 0)),
            pl.BlockSpec((1, _TI, _RR, _PACK), lambda b, i: (b, i, 0, 0)),
            pl.BlockSpec((1, _RR, _PACK * _IN_NF), lambda b, i: (b, 0, 0)),
            const(_PACK * _IN_EF, _PACK * _OUT_F),
            const(1, _PACK * _OUT_F),
            const(_PACK * _OUT_F, _PACK * _OUT_F),
            const(1, _PACK * _OUT_F),
            const(_PACK * _IN_NF, _PACK * _OUT_F),
            const(1, _PACK * _OUT_F),
            const(_PACK * _OUT_F, _PACK * _OUT_F),
            const(1, _PACK * _OUT_F),
            const(_PACK, _PACK * _OUT_F),
            const(_PACK * _OUT_F, _OUT_F),
        ],
        out_specs=[
            pl.BlockSpec((1, _TI, _RR, _PACK * _OUT_F),
                         lambda b, i: (b, i, 0, 0)),
            pl.BlockSpec((1, _TI, _OUT_F), lambda b, i: (b, i, 0)),
        ],
        out_shape=[
            jax.ShapeDtypeStruct((_B, _N, _RR, _PACK * _OUT_F), f32),
            jax.ShapeDtypeStruct((_B, _N, _OUT_F), f32),
        ],
    )(wp, ap, xp, bd1, b1, bd2, b2, bdn1, bn1t, bdn2, bn2t, sel_e, sel_f)
    return wout.reshape(_B, _N, _N, _OUT_F), xout

# --- scband reference (transcript-rebuilt; emitter-appended) ---
"""Pipeline reference for scband-hyper-gnnlayer-68977174774430 (READ-ONLY COPY).

The authoritative reference and input builder live on the scoring server;
editing this copy changes nothing except your own understanding.
"""

import jax, jax.numpy as jnp
import numpy as np

B, N = 4, 512
IN_NF, IN_EF, OUT_F = 16, 8, 16

def _linear_params(key, fan_in, fan_out):
    k1, k2 = jax.random.split(key)
    s = 1.0 / np.sqrt(fan_in)
    W = jax.random.uniform(k1, (fan_in, fan_out), minval=-s, maxval=s, dtype=jnp.float32)
    b = jax.random.uniform(k2, (fan_out,), minval=-s, maxval=s, dtype=jnp.float32)
    return W, b

def setup_inputs(seed: int = 0):
    key = jax.random.key(seed)
    ks = jax.random.split(key, 8)
    A = jax.random.uniform(ks[0], (B, N, N), dtype=jnp.float32)
    W = jax.random.normal(ks[1], (B, N, N, IN_EF), dtype=jnp.float32)
    x = jax.random.normal(ks[2], (B, N, IN_NF), dtype=jnp.float32)
    We1, be1 = _linear_params(ks[3], IN_EF + IN_NF, OUT_F)
    We2, be2 = _linear_params(ks[4], OUT_F, OUT_F)
    Wn1, bn1 = _linear_params(ks[5], IN_NF, OUT_F)
    Wn2, bn2 = _linear_params(ks[6], OUT_F, OUT_F)
    return {"A": A, "W": W, "x": x, "We1": We1, "be1": be1, "We2": We2, "be2": be2, "Wn1": Wn1, "bn1": bn1, "Wn2": Wn2, "bn2": bn2}

def reference(A, W, x, We1, be1, We2, be2, Wn1, bn1, Wn2, bn2):
    # HyperGNNLayer.forward_dense with order=2, norm=True, sk_channel=False
    b, n, f = x.shape
    # W1 = A.unsqueeze(-1) * x.view(b,1,n,f); original code then uses zeros_like(W1)
    W1_zeros = jnp.zeros((b, n, n, f), dtype=W.dtype)
    e_in = jnp.concatenate([W, W1_zeros], axis=-1)
    h = jax.nn.relu(jnp.matmul(e_in, We1) + be1)
    W_new = jax.nn.relu(jnp.matmul(h, We2) + be2)
    # normalize A over dim 2
    A_sum = jnp.sum(A, axis=2, keepdims=True)
    A_n = A / A_sum
    A_n = jnp.where(jnp.isnan(A_n), 0.0, A_n)
    # node MLP
    h1 = jax.nn.relu(jnp.matmul(x, Wn1) + bn1)
    x1 = jax.nn.relu(jnp.matmul(h1, Wn2) + bn2)
    # message passing: x_new = sum_j A[b,i,j] * W_new[b,i,j,:] * x1[b,j,:]
    x_new = A_n[..., None] * W_new
    x_new = jnp.sum(x_new * x1[:, None, :, :], axis=-2)
    return (W_new, x_new)

if __name__ == "__main__":
    import jax
    _d = setup_inputs()
    print(jax.jit(kernel)(*tuple(_d.values())))

</pallas_src>

<mosaic_0001>
module attributes {stable_mosaic.version = 14 : i64} {
  func.func @_fused_kernel(%arg0: i32, %arg1: i32, %arg2: memref<1x64x32x128xf32, #tpu.memory_space<vmem>>, %arg3: memref<1x64x32x16xf32, #tpu.memory_space<vmem>>, %arg4: memref<1x32x256xf32, #tpu.memory_space<vmem>>, %arg5: memref<128x256xf32, #tpu.memory_space<vmem>>, %arg6: memref<1x256xf32, #tpu.memory_space<vmem>>, %arg7: memref<256x256xf32, #tpu.memory_space<vmem>>, %arg8: memref<1x256xf32, #tpu.memory_space<vmem>>, %arg9: memref<256x256xf32, #tpu.memory_space<vmem>>, %arg10: memref<1x256xf32, #tpu.memory_space<vmem>>, %arg11: memref<256x256xf32, #tpu.memory_space<vmem>>, %arg12: memref<1x256xf32, #tpu.memory_space<vmem>>, %arg13: memref<16x256xf32, #tpu.memory_space<vmem>>, %arg14: memref<256x16xf32, #tpu.memory_space<vmem>>, %arg15: memref<1x64x32x256xf32, #tpu.memory_space<vmem>>, %arg16: memref<1x64x16xf32, #tpu.memory_space<vmem>>) attributes {dimension_semantics = [#tpu.dimension_semantics<arbitrary>, #tpu.dimension_semantics<arbitrary>], iteration_bounds = array<i64: 4, 8>, scalar_prefetch = 0 : i64, scratch_operands = 0 : i64, tpu.core_type = #tpu.core_type<tc>, window_params = [{transform_indices = @transform_0, window_bounds = array<i64: 1, 64, 32, 128>}, {transform_indices = @transform_1, window_bounds = array<i64: 1, 64, 32, 16>}, {transform_indices = @transform_2, window_bounds = array<i64: 1, 32, 256>}, {pipeline_mode = #tpu.pipeline_mode<synchronous>, transform_indices = @transform_3, window_bounds = array<i64: 128, 256>}, {pipeline_mode = #tpu.pipeline_mode<synchronous>, transform_indices = @transform_4, window_bounds = array<i64: 1, 256>}, {pipeline_mode = #tpu.pipeline_mode<synchronous>, transform_indices = @transform_5, window_bounds = array<i64: 256, 256>}, {pipeline_mode = #tpu.pipeline_mode<synchronous>, transform_indices = @transform_6, window_bounds = array<i64: 1, 256>}, {pipeline_mode = #tpu.pipeline_mode<synchronous>, transform_indices = @transform_7, window_bounds = array<i64: 256, 256>}, {pipeline_mode = #tpu.pipeline_mode<synchronous>, transform_indices = @transform_8, window_bounds = array<i64: 1, 256>}, {pipeline_mode = #tpu.pipeline_mode<synchronous>, transform_indices = @transform_9, window_bounds = array<i64: 256, 256>}, {pipeline_mode = #tpu.pipeline_mode<synchronous>, transform_indices = @transform_10, window_bounds = array<i64: 1, 256>}, {pipeline_mode = #tpu.pipeline_mode<synchronous>, transform_indices = @transform_11, window_bounds = array<i64: 16, 256>}, {pipeline_mode = #tpu.pipeline_mode<synchronous>, transform_indices = @transform_12, window_bounds = array<i64: 256, 16>}, {transform_indices = @transform_13, window_bounds = array<i64: 1, 64, 32, 256>}, {transform_indices = @transform_14, window_bounds = array<i64: 1, 64, 16>}]} {
    %get3A = arith.constant 0 : index
    %get3A_0 = arith.constant 0 : index
    %get3A_1 = arith.constant 0 : index
    %get3A_2 = arith.constant 0 : index
    %get3A_3 = vector.load %arg2[%get3A, %get3A_0, %get3A_1, %get3A_2] : memref<1x64x32x128xf32, #tpu.memory_space<vmem>>, vector<1x64x32x128xf32>
    %get3A_4 = vector.shape_cast %get3A_3 : vector<1x64x32x128xf32> to vector<64x32x128xf32>
    %reshape3A = vector.shape_cast %get3A_4 : vector<64x32x128xf32> to vector<2048x128xf32>
    %get3A_5 = arith.constant 0 : index
    %get3A_6 = arith.constant 0 : index
    %get3A_7 = vector.load %arg5[%get3A_5, %get3A_6] : memref<128x256xf32, #tpu.memory_space<vmem>>, vector<128x256xf32>
    %dot_general3A = arith.constant dense<0.000000e+00> : vector<2048x256xf32>
    %dot_general3A_8 = tpu.matmul %reshape3A, %get3A_7, %dot_general3A {dimension_numbers = #tpu.dot_dimension_numbers<[1], [0], [0], [1], [0, 0, 1, 1], [], []>, transpose_lhs_hint = false} : vector<2048x128xf32>, vector<128x256xf32>, vector<2048x256xf32> -> vector<2048x256xf32>
    %get3A_9 = arith.constant 0 : index
    %get3A_10 = arith.constant 0 : index
    %get3A_11 = vector.load %arg6[%get3A_9, %get3A_10] : memref<1x256xf32, #tpu.memory_space<vmem>>, vector<1x256xf32>
    %add3A = vector.broadcast %get3A_11 : vector<1x256xf32> to vector<2048x256xf32>
    %add3A_12 = arith.addf %dot_general3A_8, %add3A : vector<2048x256xf32>
    %max3A = arith.constant 0.000000e+00 : f32
    %max3A_13 = vector.broadcast %max3A : f32 to vector<2048x256xf32>
    %max3A_14 = arith.maximumf %add3A_12, %max3A_13 : vector<2048x256xf32>
    %get3A_15 = arith.constant 0 : index
    %get3A_16 = arith.constant 0 : index
    %get3A_17 = vector.load %arg7[%get3A_15, %get3A_16] : memref<256x256xf32, #tpu.memory_space<vmem>>, vector<256x256xf32>
    %dot_general3A_18 = arith.constant dense<0.000000e+00> : vector<2048x256xf32>
    %dot_general3A_19 = tpu.matmul %max3A_14, %get3A_17, %dot_general3A_18 {dimension_numbers = #tpu.dot_dimension_numbers<[1], [0], [0], [1], [0, 0, 1, 1], [], []>, transpose_lhs_hint = false} : vector<2048x256xf32>, vector<256x256xf32>, vector<2048x256xf32> -> vector<2048x256xf32>
    %get3A_20 = arith.constant 0 : index
    %get3A_21 = arith.constant 0 : index
    %get3A_22 = vector.load %arg8[%get3A_20, %get3A_21] : memref<1x256xf32, #tpu.memory_space<vmem>>, vector<1x256xf32>
    %add3A_23 = vector.broadcast %get3A_22 : vector<1x256xf32> to vector<2048x256xf32>
    %add3A_24 = arith.addf %dot_general3A_19, %add3A_23 : vector<2048x256xf32>
    %max3A_25 = arith.constant 0.000000e+00 : f32
    %max3A_26 = vector.broadcast %max3A_25 : f32 to vector<2048x256xf32>
    %max3A_27 = arith.maximumf %add3A_24, %max3A_26 : vector<2048x256xf32>
    %reshape3A_28 = vector.shape_cast %max3A_27 : vector<2048x256xf32> to vector<64x32x256xf32>
    %swap3A = arith.constant 0 : index
    %swap3A_29 = arith.constant 0 : index
    %swap3A_30 = arith.constant 0 : index
    %swap3A_31 = arith.constant 0 : index
    %swap3A_32 = vector.load %arg15[%swap3A, %swap3A_29, %swap3A_30, %swap3A_31] : memref<1x64x32x256xf32, #tpu.memory_space<vmem>>, vector<1x64x32x256xf32>
    %swap3A_33 = vector.shape_cast %swap3A_32 : vector<1x64x32x256xf32> to vector<64x32x256xf32>
    %swap3A_34 = vector.shape_cast %reshape3A_28 : vector<64x32x256xf32> to vector<1x64x32x256xf32>
    tpu.vector_store %arg15[%swap3A, %swap3A_29, %swap3A_30, %swap3A_31], %swap3A_34 {strides = array<i32>} : memref<1x64x32x256xf32, #tpu.memory_space<vmem>>, vector<1x64x32x256xf32>,
    %get3A_35 = arith.constant 0 : index
    %get3A_36 = arith.constant 0 : index
    %get3A_37 = arith.constant 0 : index
    %get3A_38 = vector.load %arg4[%get3A_35, %get3A_36, %get3A_37] : memref<1x32x256xf32, #tpu.memory_space<vmem>>, vector<1x32x256xf32>
    %get3A_39 = vector.shape_cast %get3A_38 : vector<1x32x256xf32> to vector<32x256xf32>
    %get3A_40 = arith.constant 0 : index
    %get3A_41 = arith.constant 0 : index
    %get3A_42 = vector.load %arg9[%get3A_40, %get3A_41] : memref<256x256xf32, #tpu.memory_space<vmem>>, vector<256x256xf32>
    %dot_general3A_43 = arith.constant dense<0.000000e+00> : vector<32x256xf32>
    %dot_general3A_44 = tpu.matmul %get3A_39, %get3A_42, %dot_general3A_43 {dimension_numbers = #tpu.dot_dimension_numbers<[1], [0], [0], [1], [0, 0, 1, 1], [], []>, transpose_lhs_hint = false} : vector<32x256xf32>, vector<256x256xf32>, vector<32x256xf32> -> vector<32x256xf32>
    %get3A_45 = arith.constant 0 : index
    %get3A_46 = arith.constant 0 : index
    %get3A_47 = vector.load %arg10[%get3A_45, %get3A_46] : memref<1x256xf32, #tpu.memory_space<vmem>>, vector<1x256xf32>
    %add3A_48 = vector.broadcast %get3A_47 : vector<1x256xf32> to vector<32x256xf32>
    %add3A_49 = arith.addf %dot_general3A_44, %add3A_48 : vector<32x256xf32>
    %max3A_50 = arith.constant 0.000000e+00 : f32
    %max3A_51 = vector.broadcast %max3A_50 : f32 to vector<32x256xf32>
    %max3A_52 = arith.maximumf %add3A_49, %max3A_51 : vector<32x256xf32>
    %get3A_53 = arith.constant 0 : index
    %get3A_54 = arith.constant 0 : index
    %get3A_55 = vector.load %arg11[%get3A_53, %get3A_54] : memref<256x256xf32, #tpu.memory_space<vmem>>, vector<256x256xf32>
    %dot_general3A_56 = arith.constant dense<0.000000e+00> : vector<32x256xf32>
    %dot_general3A_57 = tpu.matmul %max3A_52, %get3A_55, %dot_general3A_56 {dimension_numbers = #tpu.dot_dimension_numbers<[1], [0], [0], [1], [0, 0, 1, 1], [], []>, transpose_lhs_hint = false} : vector<32x256xf32>, vector<256x256xf32>, vector<32x256xf32> -> vector<32x256xf32>
    %get3A_58 = arith.constant 0 : index
    %get3A_59 = arith.constant 0 : index
    %get3A_60 = vector.load %arg12[%get3A_58, %get3A_59] : memref<1x256xf32, #tpu.memory_space<vmem>>, vector<1x256xf32>
    %add3A_61 = vector.broadcast %get3A_60 : vector<1x256xf32> to vector<32x256xf32>
    %add3A_62 = arith.addf %dot_general3A_57, %add3A_61 : vector<32x256xf32>
    %max3A_63 = arith.constant 0.000000e+00 : f32
    %max3A_64 = vector.broadcast %max3A_63 : f32 to vector<32x256xf32>
    %max3A_65 = arith.maximumf %add3A_62, %max3A_64 : vector<32x256xf32>
    %get3A_66 = arith.constant 0 : index
    %get3A_67 = arith.constant 0 : index
    %get3A_68 = arith.constant 0 : index
    %get3A_69 = arith.constant 0 : index
    %get3A_70 = vector.load %arg3[%get3A_66, %get3A_67, %get3A_68, %get3A_69] : memref<1x64x32x16xf32, #tpu.memory_space<vmem>>, vector<1x64x32x16xf32>
    %get3A_71 = vector.shape_cast %get3A_70 : vector<1x64x32x16xf32> to vector<64x32x16xf32>
    %reduce_sum3A = arith.constant dense<0.000000e+00> : vector<64x16xf32>
    %reduce_sum3A_72 = vector.multi_reduction <add>, %get3A_71, %reduce_sum3A [1] : vector<64x32x16xf32> to vector<64x16xf32>
    %reduce_sum3A_73 = arith.constant dense<0.000000e+00> : vector<64xf32>
    %reduce_sum3A_74 = vector.multi_reduction <add>, %reduce_sum3A_72, %reduce_sum3A_73 [1] : vector<64x16xf32> to vector<64xf32>
    %broadcast_in_dim3A = vector.shape_cast %reduce_sum3A_74 : vector<64xf32> to vector<64x1xf32>
    %eq3A = arith.constant 0.000000e+00 : f32
    %eq3A_75 = vector.broadcast %eq3A : f32 to vector<64x1xf32>
    %eq3A_76 = arith.cmpf oeq, %broadcast_in_dim3A, %eq3A_75 : vector<64x1xf32>
    %div3A = arith.constant 1.000000e+00 : f32
    %div3A_77 = vector.broadcast %div3A : f32 to vector<64x1xf32>
    %div3A_78 = arith.divf %div3A_77, %broadcast_in_dim3A : vector<64x1xf32>
    %jit3A = arith.constant 0.000000e+00 : f32
    %broadcast_in_dim3A_79 = vector.broadcast %jit3A : f32 to vector<64x1xf32>
    %select_n3A = arith.select %eq3A_76, %broadcast_in_dim3A_79, %div3A_78 : vector<64x1xi1>, vector<64x1xf32>
    %reshape3A_80 = vector.shape_cast %get3A_71 : vector<64x32x16xf32> to vector<2048x16xf32>
    %get3A_81 = arith.constant 0 : index
    %get3A_82 = arith.constant 0 : index
    %get3A_83 = vector.load %arg13[%get3A_81, %get3A_82] : memref<16x256xf32, #tpu.memory_space<vmem>>, vector<16x256xf32>
    %dot_general3A_84 = arith.constant dense<0.000000e+00> : vector<2048x256xf32>
    %dot_general3A_85 = tpu.matmul %reshape3A_80, %get3A_83, %dot_general3A_84 {dimension_numbers = #tpu.dot_dimension_numbers<[1], [0], [0], [1], [0, 0, 1, 1], [], []>, transpose_lhs_hint = false} : vector<2048x16xf32>, vector<16x256xf32>, vector<2048x256xf32> -> vector<2048x256xf32>
    %reshape3A_86 = vector.shape_cast %max3A_27 : vector<2048x256xf32> to vector<64x32x256xf32>
    %reshape3A_87 = vector.shape_cast %dot_general3A_85 : vector<2048x256xf32> to vector<64x32x256xf32>
    %mul3A = arith.mulf %reshape3A_86, %reshape3A_87 : vector<64x32x256xf32>
    %broadcast_in_dim3A_88 = vector.shape_cast %max3A_65 : vector<32x256xf32> to vector<1x32x256xf32>
    %mul3A_89 = vector.broadcast %broadcast_in_dim3A_88 : vector<1x32x256xf32> to vector<64x32x256xf32>
    %mul3A_90 = arith.mulf %mul3A, %mul3A_89 : vector<64x32x256xf32>
    %reduce_sum3A_91 = arith.constant dense<0.000000e+00> : vector<64x256xf32>
    %reduce_sum3A_92 = vector.multi_reduction <add>, %mul3A_90, %reduce_sum3A_91 [1] : vector<64x32x256xf32> to vector<64x256xf32>
    %get3A_93 = arith.constant 0 : index
    %get3A_94 = arith.constant 0 : index
    %get3A_95 = vector.load %arg14[%get3A_93, %get3A_94] : memref<256x16xf32, #tpu.memory_space<vmem>>, vector<256x16xf32>
    %dot_general3A_96 = arith.constant dense<0.000000e+00> : vector<64x16xf32>
    %dot_general3A_97 = tpu.matmul %reduce_sum3A_92, %get3A_95, %dot_general3A_96 {dimension_numbers = #tpu.dot_dimension_numbers<[1], [0], [0], [1], [0, 0, 1, 1], [], []>, transpose_lhs_hint = false} : vector<64x256xf32>, vector<256x16xf32>, vector<64x16xf32> -> vector<64x16xf32>
    %mul3A_98 = vector.broadcast %select_n3A : vector<64x1xf32> to vector<64x16xf32>
    %mul3A_99 = arith.mulf %dot_general3A_97, %mul3A_98 : vector<64x16xf32>
    %swap3A_100 = arith.constant 0 : index
    %swap3A_101 = arith.constant 0 : index
    %swap3A_102 = arith.constant 0 : index
    %swap3A_103 = vector.load %arg16[%swap3A_100, %swap3A_101, %swap3A_102] : memref<1x64x16xf32, #tpu.memory_space<vmem>>, vector<1x64x16xf32>
    %swap3A_104 = vector.shape_cast %swap3A_103 : vector<1x64x16xf32> to vector<64x16xf32>
    %swap3A_105 = vector.shape_cast %mul3A_99 : vector<64x16xf32> to vector<1x64x16xf32>
    tpu.vector_store %arg16[%swap3A_100, %swap3A_101, %swap3A_102], %swap3A_105 {strides = array<i32>} : memref<1x64x16xf32, #tpu.memory_space<vmem>>, vector<1x64x16xf32>,
    return
  }
  func.func @transform_0(%arg0: i32, %arg1: i32) -> (i32, i32, i32, i32) {
    %c0_i32 = arith.constant 0 : i32
    %c0_i32_0 = arith.constant 0 : i32
    %c0_i32_1 = arith.constant 0 : i32
    return %arg0, %arg1, %c0_i32, %c0_i32_0 : i32, i32, i32, i32
  }
  func.func @transform_1(%arg0: i32, %arg1: i32) -> (i32, i32, i32, i32) {
    %c0_i32 = arith.constant 0 : i32
    %c0_i32_0 = arith.constant 0 : i32
    %c0_i32_1 = arith.constant 0 : i32
    return %arg0, %arg1, %c0_i32, %c0_i32_0 : i32, i32, i32, i32
  }
  func.func @transform_2(%arg0: i32, %arg1: i32) -> (i32, i32, i32) {
    %c0_i32 = arith.constant 0 : i32
    %c0_i32_0 = arith.constant 0 : i32
    %c0_i32_1 = arith.constant 0 : i32
    return %arg0, %c0_i32, %c0_i32_0 : i32, i32, i32
  }
  func.func @transform_3(%arg0: i32, %arg1: i32) -> (i32, i32) {
    %c0_i32 = arith.constant 0 : i32
    %c0_i32_0 = arith.constant 0 : i32
    %c0_i32_1 = arith.constant 0 : i32
    return %c0_i32, %c0_i32_0 : i32, i32
  }
  func.func @transform_4(%arg0: i32, %arg1: i32) -> (i32, i32) {
    %c0_i32 = arith.constant 0 : i32
    %c0_i32_0 = arith.constant 0 : i32
    %c0_i32_1 = arith.constant 0 : i32
    return %c0_i32, %c0_i32_0 : i32, i32
  }
  func.func @transform_5(%arg0: i32, %arg1: i32) -> (i32, i32) {
    %c0_i32 = arith.constant 0 : i32
    %c0_i32_0 = arith.constant 0 : i32
    %c0_i32_1 = arith.constant 0 : i32
    return %c0_i32, %c0_i32_0 : i32, i32
  }
  func.func @transform_6(%arg0: i32, %arg1: i32) -> (i32, i32) {
    %c0_i32 = arith.constant 0 : i32
    %c0_i32_0 = arith.constant 0 : i32
    %c0_i32_1 = arith.constant 0 : i32
    return %c0_i32, %c0_i32_0 : i32, i32
  }
  func.func @transform_7(%arg0: i32, %arg1: i32) -> (i32, i32) {
    %c0_i32 = arith.constant 0 : i32
    %c0_i32_0 = arith.constant 0 : i32
    %c0_i32_1 = arith.constant 0 : i32
    return %c0_i32, %c0_i32_0 : i32, i32
  }
  func.func @transform_8(%arg0: i32, %arg1: i32) -> (i32, i32) {
    %c0_i32 = arith.constant 0 : i32
    %c0_i32_0 = arith.constant 0 : i32
    %c0_i32_1 = arith.constant 0 : i32
    return %c0_i32, %c0_i32_0 : i32, i32
  }
  func.func @transform_9(%arg0: i32, %arg1: i32) -> (i32, i32) {
    %c0_i32 = arith.constant 0 : i32
    %c0_i32_0 = arith.constant 0 : i32
    %c0_i32_1 = arith.constant 0 : i32
    return %c0_i32, %c0_i32_0 : i32, i32
  }
  func.func @transform_10(%arg0: i32, %arg1: i32) -> (i32, i32) {
    %c0_i32 = arith.constant 0 : i32
    %c0_i32_0 = arith.constant 0 : i32
    %c0_i32_1 = arith.constant 0 : i32
    return %c0_i32, %c0_i32_0 : i32, i32
  }
  func.func @transform_11(%arg0: i32, %arg1: i32) -> (i32, i32) {
    %c0_i32 = arith.constant 0 : i32
    %c0_i32_0 = arith.constant 0 : i32
    %c0_i32_1 = arith.constant 0 : i32
    return %c0_i32, %c0_i32_0 : i32, i32
  }
  func.func @transform_12(%arg0: i32, %arg1: i32) -> (i32, i32) {
    %c0_i32 = arith.constant 0 : i32
    %c0_i32_0 = arith.constant 0 : i32
    %c0_i32_1 = arith.constant 0 : i32
    return %c0_i32, %c0_i32_0 : i32, i32
  }
  func.func @transform_13(%arg0: i32, %arg1: i32) -> (i32, i32, i32, i32) {
    %c0_i32 = arith.constant 0 : i32
    %c0_i32_0 = arith.constant 0 : i32
    %c0_i32_1 = arith.constant 0 : i32
    return %arg0, %arg1, %c0_i32, %c0_i32_0 : i32, i32, i32, i32
  }
  func.func @transform_14(%arg0: i32, %arg1: i32) -> (i32, i32, i32) {
    %c0_i32 = arith.constant 0 : i32
    %c0_i32_0 = arith.constant 0 : i32
    return %arg0, %arg1, %c0_i32 : i32, i32, i32
  }
}

</mosaic_0001>

<sc_bundles>
// kernel: sparse-core-data-format-call.cloned.1.call-start
scs
called_computation_lowered:
.L_overlay_start_0:
0x0: {  	s2 =	sld [smem:$0x3FD9]  }
0x1: {  	s3 =	sld [smem:$0x3FFE];
	_ =	sdelay $0x1  }
0x2: {  	s1 =	srdreg.scid  }
0x3: {  	s0 =	sand.u32 $0x1, s1  }
0x4: {  	s15 =	sshll.u32 s0, $0xA;
	s2 =	sadd.s32 s3, s2  }
0x5: {  	s2 =	sadd.s32 s2, s15  }
0x6: {  	[smem:$0x3FBD] =	sst s2  }
0x7: {  	_ = 	snop  }
0x8: {  	s2 =	sld [smem:$0x3FD0];
	_ =	sdelay $0x2  }
0x9: {  	s16 =	simm.s32 $0xA;
	s4 =	simm.s32 $0x10  }
0xa: {  	[smem:s4], [sflag:s16] =	dma.local [hbm:s2], $0x1  }
0xb: {  	_ =	swait.eq [sflag:s16], $0x1  }
0xc: {  	[sflag:s16] =	ssyncset.done $0x0  }
0xd: {  	[sflag:s16] =	ssyncadd.s32 $0xFFFFFFFF  }
0xe: {  	s17 =	sld [smem:$0x10];
	(tm) =	ssettm $0x1  }
0xf: {  	s18 =	sld [smem:$0x3FFB];
	_ =	sdelay $0x3  }
0x10: {  	_ =	strace s18  }
0x11: {  	s3 =	sld [smem:$0x3FFC];
	_ =	sdelay $0x3  }
0x12: {  	_ =	strace s3  }
0x13: {  	s3 =	sld [smem:$0x3FFD];
	_ =	sdelay $0x3  }
0x14: {  	_ =	strace s3  }
0x15: {  	_ =	strace $0x8FFFFFFF  }
0x16: {  	s19 =	sld [smem:$0x3FDB];
	_ =	sdelay $0x1  }
0x17: {  	s20 =	simm.s32 $_scs_section_size  }
0x18: {  	s5 =	simm.s32 $_size__tile_overlayer_lowered;
	s6 =	simm.s32 $_tile_overlayer_lowered  }
0x19: {  	s23 =	simm.s32 $0x1BFF;
	s22 =	sshll.u32 s6, $0x1;
	s3 =	sadd.s32 s20, s19  }
0x1a: {  	s7 =	simm.s32 $0x0;
	s21 =	sshll.u32 s5, $0x1;
	s5 =	sadd.s32 s22, s3  }
0x1b: {  	[timem:s7], [sflag:s23] =	dma.local [hbm:s5], s21  }
0x1c: {  	_ =	swait.ge [sflag:s23], s21  }
0x1d: {  	s4 =	ssub.s32 $0x0, s21;
	[sflag:s23] =	ssyncset.done $0x0  }
0x1e: {  	[sflag:s23] =	ssyncadd.s32 s4;
	_ =	sdelay $0x1  }
0x1f: {  	s24 =	simm.s32 $0x1B8B  }
0x20: {  	_ =	swait.ge [sflag:s24], $0x1  }
0x21: {  	[sflag:s24] =	ssyncset.done $0x0  }
0x22: {  	s26 =	simm.s32 $0x1B8E;
	s25 =	sld [smem:$0x3FFE];
	[sflag:s24] =	ssyncadd.s32 $0xFFFFFFFF  }
0x23: {  	s27 =	simm.s32 $execute0_lowered;
	[smem:$0x3FD2] =	sst s26  }
0x24: {  	s5 =	sshll.u32 s27, $0x1;
	_ =	strace $0x80000046;
	[dreg:$0x1] =	wrdreg $0xFFFFFFFF  }
0x25: {  	s28 =	simm.s32 $_size_execute0_lowered;
	s3 =	sadd.s32 s3, s5;
	[dreg:$0x0] =	wrdreg $0x0  }
0x26: {  	s5 =	sshll.u32 s28, $0x1;
	[dreg:$0x2] =	wrdreg s3  }
0x27: {  	[dreg:$0x3] =	wrdreg s5  }
0x28: {  	[dreg:$0x4] =	wrdreg $0xC0  }
0x29: {  	_ =	task [dreg:s7], $0x5FFFF  }
0x2a: {  	[dreg:$0x1] =	wrdreg $0xFFFFFFFF  }
0x2b: {  	[dreg:$0x0] =	wrdreg $0x60  }
0x2c: {  	[dreg:$0x2] =	wrdreg s25  }
0x2d: {  	[dreg:$0x3] =	wrdreg s17  }
0x2e: {  	[dreg:$0x4] =	wrdreg $0x9  }
0x2f: {  	_ =	task.clear_ibuf [dreg:s7], $0x5FFFF;
	_ =	strace $0x90000046  }
0x30: {  	s29 =	simm.s32 $0x9;
	_ =	strace $0x80000048  }
0x31: {  	_ =	swait.ge [sflag:s29], $0x1  }
0x32: {  	[sflag:s29] =	ssyncadd.s32 $0xFFFFFFFF  }
0x33: {  	_ =	strace $0x90000048  }
0x34: {  	_ =	sfence  }
0x35: {  	s30 =	sld [smem:$0x0];
	_ =	sdelay $0x2  }
0x36: {  	s31 =	sshll.u32 s1, $0xD;
	s1 =	sshrl.u32 s1, $0x2  }
0x37: {  	s3 =	sand.u32 $0x4000, s31;
	s1 =	sadd.s32 s1, s30  }
0x38: {  	s0 =	sor.u32 s3, s0;
	s1 =	sshll.u32 s1, $0x11  }
0x39: {  	s0 =	sor.u32 s1, s0  }
0x3a: {  	s0 =	sadd.s32 $0x8F2B, s0  }
0x3b: {  	[sflag:s0] =	ssyncadd.remote.s32 $0x1  }
0x3c: {  	_ =	sfence.sel $0xFFFF  }
0x3d: {  	[dreg:$0x0] =	wrdreg $0xFFFFFFFF;
	(pc) =	sbr.abs _section_cstart, $3  }
0x3e: {  	[dreg:$0x1] =	wrdreg $0xFFFFFFFF  }
0x3f: {  	_ =	task.clear_ibuf [dreg:s7], $0x2FFFF;
	_ =	strace $0x9FFFFFFF  }
0x40: {  	(tm) =	ssettm $0x7FFFFFFF  }
0x41: {  	_ =	shalt  }
tec
execute0_lowered:
.L_overlay_start_1:
0x0: {  	(tag) =	ssettag $0x1  }
0x1: {  	s0 =	stileid.u32;
	s6 =	rddreg [dreg:$0x0]  }
0x2: {  	s2 =	srdreg.scid;
	s3 =	rddreg [dreg:$0x1]  }
0x3: {  	s7 =	simm.s32 $0x1;
	s31 =	simm.s32 $0x2;
	s16 =	simm.s32 $0x0  }
0x4: {  	s10 =	simm.s32 $0x2000;
	s19 =	simm.s32 $0x0;
	s1 =	sshll.u32 s0, $0x5  }
0x5: {  	s17 =	simm.s32 $0x0;
	s18 =	simm.s32 $0x0;
	s1 =	sand.u32 $0x180, s1  }
0x6: {  	s11 =	simm.s32 $0x0;
	s15 =	simm.s32 $0x0;
	s5 =	ssub.s32 $0x200, s1  }
0x7: {  	s4 =	sand.u32 $0x1, s2;
	s2 =	rddreg [dreg:$0x2];
	s30 =	sand.u32 $0x180, s5  }
0x8: {  	_ =	strace $0x80000047;
	s8 =	ssub.s32 $0x10, s4;
	p0 =	sne.s32 s30, $0x0  }
0x9: {  	s9 =	sshrl.u32 s8, $0x1;
	s5 =	sshrl.u32 s5, $0x9;
	s7 =	simm.s32 @!p0 $0x0  }
.Ltmp0:
0xa: {  	s8 =	ssub.s32 s8, s9;
	s7 =	sadd.s32 s7, s5;
	(pc) =	sbr.rel .LBB1_1-.Ltmp0, $4  }
0xb: {  	s6 =	sadd.s32 $0x9600, s6;
	s12 =	smov.u32 s4;
	s8 =	smul.u32 s7, s8  }
0xc: {  	s13 =	smov.u32 s1;
	p0 =	por $0x0, $0x0;
	s5 =	simm.s32 $0x1  }
0xd: {  	[sflag:s5] =	ssyncpa.u1 $0x0;
	s7 =	sand.u32 $0x3, s0;
	s8 =	sshll.u32 s8, $0x2  }
0xe: {  	[sflag:s31] =	ssyncpa.u1 $0x0;
	s14 =	smov.u32 s7;
	s9 =	sor.u32 $0x1, s8  }
.LBB1_4:
0xf: {  	v5 =	vld [tilespmem:s22+$0xFFFFFFD0];
	[tilespmem:s23+$0x2040 ss:$0x81] =	vst.msk $0xffff, v1  }
0x10: {  	v58 =	vld [tilespmem:s22+$0xFFFFFFE0];
	[tilespmem:s23+$0x2850 ss:$0x81] =	vst.msk $0xffff, v2  }
0x11: {  	s24 =	sshra.s32 s24, $0x2;
	v59 =	vld [tilespmem:s22+$0xFFFFFFF0];
	[tilespmem:s23+$0x3060 ss:$0x81] =	vst.msk $0xffff, v3  }
0x12: {  	v60 =	vld [tilespmem:s22+$0x0];
	[tilespmem:s23+$0x0 ss:$0x81] =	vst.msk $0xffff, v0;
	s21 =	sadd.s32 s24, s21  }
0x13: {  	v61 =	vld [tilespmem:s22+$0x10];
	s31 =	sand.u32 $0x78, s17;
	s26 =	sshll.u32 s19, $0x9;
	s25 =	sshll.u32 s17, $0x3;
	[tilespmem:s21+$0x3870 ss:$0x81] =	vst.msk $0xffff, v4  }
0x14: {  	v62 =	vld [tilespmem:s22+$0x20];
	s27 =	sshll.u32 s19, $0x7;
	s18 =	sshll.u32 s18, $0x13;
	s16 =	sshll.u32 s16, $0xA;
	[tilespmem:s21+$0x810 ss:$0x81] =	vst.msk $0xffff, v5  }
0x15: {  	v63 =	vld [tilespmem:s22+$0xFFFFFFC0];
	s30 =	sand.u32 $0x7, s17;
	s24 =	sand.u32 $0x1000, s26;
	s25 =	sand.u32 $0x1C00, s25;
	[tilespmem:s21+$0x1020 ss:$0x81] =	vst.msk $0xffff, v58  }
0x16: {  	s29 =	sand.u32 $0x200, s27;
	s19 =	sand.u32 $0x180, s27;
	s28 =	sadd.s32 s25, s24;
	[tilespmem:s21+$0x1830 ss:$0x81] =	vst.msk $0xffff, v59  }
0x17: {  	s18 =	sadd.s32 s3, s18;
	s19 =	sor.u32 s31, s19;
	s22 =	sor.u32 s29, s28;
	[tilespmem:s21+$0x2040 ss:$0x81] =	vst.msk $0xffff, v60  }
0x18: {  	s16 =	sadd.s32 s16, s18;
	s19 =	sshrl.u32 s19, $0x3;
	s22 =	sshrl.u32 s22, $0x3;
	[tilespmem:s21+$0x2850 ss:$0x81] =	vst.msk $0xffff, v61  }
0x19: {  	s17 =	sshll.u32 s30, $0x12;
	s16 =	sadd.s32 s19, s16;
	[tilespmem:s21+$0x3060 ss:$0x81] =	vst.msk $0xffff, v62;
	s31 =	sand.u32 $0x3C0, s22  }
0x1a: {  	s17 =	sor.u32 $0x80, s17;
	[tilespmem:s21+$0x0 ss:$0x81] =	vst.msk $0xffff, v63;
	s16 =	sadd.s32 s31, s16  }
0x1b: {  	[hbm4b:s16+s17] =	stream.strided.scatter [tilespmem:s20], [sflag:$0x2], $0x4000, s10, s17, $0x20;
	[tilespmem:$0x10100] =	vst v63  }
.LBB1_5:
0x1c: {  	s20 =	sadd.s32 $0x80, s11  }
0x1d: {  	s16 =	sadd.s32 $0x2, s12;
	s21 =	smov.u32 s12;
	p2 =	sgt.s32 s20, $0x1FF  }
0x1e: {  	s21 =	smov.u32 @p2 s16  }
0x1f: {  	s22 =	smov.u32 s13;
	s16 =	sadd.s32 $0x200, s13;
	p3 =	sgt.s32 s21, $0xF  }
0x20: {  	s22 =	smov.u32 @p3 s16  }
0x21: {  	s23 =	smov.u32 s14;
	s16 =	sadd.s32 $0x4, s14;
	p4 =	sgt.s32 s22, $0x1FF  }
0x22: {  	p1 =	slt.u32 s15, $0x2;
	s23 =	smov.u32 @p4 s16  }
0x23: {  	s19 =	smov.u32 s12;
	s20 =	simm.s32 @p2 $0x0;
	p2 =	sgt.s32 s23, $0x3  }
0x24: {  	s24 =	simm.s32 @!p1 $0x2;
	s23 =	smov.u32 @p2 s7;
	p2 =	sne.s32 s15, s9  }
.Ltmp1:
0x25: {  	s17 =	smov.u32 s13;
	_ =	swait.ge @!p1 [sflag:s24], $0x4000;
	(pc) =	sbr.rel @!p2 .LBB1_6-.Ltmp1, $4  }
0x26: {  	s18 =	smov.u32 s14;
	[sflag:s24] =	ssyncset.done @!p1 $0x0;
	s21 =	smov.u32 @p3 s4  }
0x27: {  	p0 =	por !p0, !p0;
	[sflag:s24] =	ssyncadd.s32 @!p1 $0xFFFFC000;
	s12 =	smov.u32 s21  }
0x28: {  	s22 =	smov.u32 @p4 s1;
	s16 =	smov.u32 s11;
	s11 =	smov.u32 s20  }
0x29: {  	s13 =	smov.u32 s22;
	s15 =	sadd.s32 $0x1, s15;
	s14 =	smov.u32 s23  }
.LBB1_1:
0x2a: {  	p1 =	sge.u32 s15, s8;
	s31 =	sadd.s32 $0xFFFFFFFF, s15  }
0x2b: {  	s20 =	sxor.u32 @!p1 $0xFFFFFFFF, s15;
	s21 =	sand.u32 @!p1 $0x78, s11;
	s22 =	sshll.u32 @!p1 s12, $0x9  }
0x2c: {  	s23 =	sshll.u32 @!p1 s11, $0x3;
	s24 =	sshll.u32 @!p1 s12, $0x7;
	s20 =	sshll.u32 @!p1 s20, $0xE  }
0x2d: {  	s22 =	sand.u32 @!p1 $0x1000, s22;
	s23 =	sand.u32 @!p1 $0x1C00, s23;
	s20 =	sand.u32 @!p1 $0x4000, s20  }
0x2e: {  	s22 =	sadd.s32 @!p1 s22, s23;
	s23 =	sand.u32 @!p1 $0x200, s24;
	s24 =	sand.u32 @!p1 $0x180, s24  }
0x2f: {  	s22 =	sor.u32 @!p1 s23, s22;
	s21 =	sor.u32 @!p1 s21, s24;
	s23 =	sshll.u32 @!p1 s14, $0x13  }
0x30: {  	s24 =	sshll.u32 @!p1 s13, $0xA;
	s22 =	sshrl.u32 @!p1 s22, $0x3;
	s23 =	sadd.s32 @!p1 s6, s23  }
0x31: {  	s21 =	sshrl.u32 @!p1 s21, $0x3;
	s23 =	sadd.s32 @!p1 s24, s23;
	s24 =	sand.u32 @!p1 $0x7, s11  }
0x32: {  	s22 =	sand.u32 @!p1 $0x3C0, s22;
	s21 =	sadd.s32 @!p1 s21, s23;
	s23 =	sshll.u32 @!p1 s24, $0x12  }
0x33: {  	s21 =	sadd.s32 @!p1 s22, s21;
	s22 =	sor.u32 @!p1 $0x80, s23;
	s23 =	simm.s32 @!p1 $0x2000  }
0x34: {  	[tilespmem:s20], [sflag:$0x1] =	stream.strided.gather @!p1 [hbm4b:s21+s22], $0x4000, s23, s22, $0x38;
	[tilespmem:$0x10100] =	vst v63  }
0x35: {  	p1 =	sge.u32 s31, s8  }
.Ltmp2:
0x36: {  	_ = 	snop;
	(pc) =	sbr.rel @p1 .LBB1_5-.Ltmp2, $1  }
0x37: {  	_ =	sdelay $0x3  }
0x38: {  	s20 =	simm.s32 $0x1  }
0x39: {  	_ =	swait.ge [sflag:s5], $0x4000;
	s20 =	simm.s32 @!p0 $0x0  }
0x3a: {  	[sflag:s5] =	ssyncset.done $0x0;
	s21 =	sshll.u32 s20, $0xE  }
0x3b: {  	[sflag:s5] =	ssyncadd.s32 $0xFFFFC000;
	s22 =	sor.u32 $0x40, s21  }
0x3c: {  	s20 =	smul.u32 $0x10200, s20;
	v0 =	vld [tilespmem:s22+$0x30]  }
0x3d: {  	v3 =	vld [tilespmem:s22+$0xFFFFFFD0]  }
0x3e: {  	s20 =	sshrl.u32 s20, $0x2;
	v4 =	vld [tilespmem:s22+$0xFFFFFFE0]  }
0x3f: {  	v5 =	vld [tilespmem:s22+$0xFFFFFFF0];
	s21 =	sor.u32 $0x8000, s20  }
0x40: {  	s31 =	sand.u32 $0x1, s15;
	v1 =	vld [tilespmem:s22+$0x0];
	s23 =	sadd.s32 $0x0, s21  }
0x41: {  	v2 =	vld [tilespmem:s22+$0x10];
	s20 =	smul.u32 $0x10200, s31;
	[tilespmem:s23+$0x3870 ss:$0x81] =	vst.msk $0xffff, v0  }
0x42: {  	[tilespmem:s23+$0x810 ss:$0x81] =	vst.msk $0xffff, v3;
	v3 =	vld [tilespmem:s22+$0x20]  }
0x43: {  	s20 =	sshrl.u32 s20, $0x2;
	v0 =	vld [tilespmem:s22+$0xFFFFFFC0];
	[tilespmem:s23+$0x1020 ss:$0x81] =	vst.msk $0xffff, v4;
	s22 =	sadd.s32 $0x80, s22  }
0x44: {  	s24 =	simm.s32 $0x4;
	s25 =	simm.s32 $0x8;
	s20 =	sor.u32 $0x8000, s20;
	[tilespmem:s23+$0x1830 ss:$0x81] =	vst.msk $0xffff, v5;
	v4 =	vld [tilespmem:s22+$0x30]  }
.LBB1_3:
0x45: {  	p1 =	sne.s32 s25, $0x1FC;
	v5 =	vld [tilespmem:s22+$0xFFFFFFD0];
	[tilespmem:s23+$0x2040 ss:$0x81] =	vst.msk $0xffff, v1  }
0x46: {  	v6 =	vld [tilespmem:s22+$0xFFFFFFE0];
	[tilespmem:s23+$0x2850 ss:$0x81] =	vst.msk $0xffff, v2  }
0x47: {  	s26 =	sshra.s32 s24, $0x2;
	s24 =	smov.u32 s25;
	v7 =	vld [tilespmem:s22+$0xFFFFFFF0];
	[tilespmem:s23+$0x3060 ss:$0x81] =	vst.msk $0xffff, v3  }
.Ltmp3:
0x48: {  	v1 =	vld [tilespmem:s22+$0x0];
	[tilespmem:s23+$0x0 ss:$0x81] =	vst.msk $0xffff, v0;
	s23 =	sadd.s32 s26, s21;
	(pc) =	sbr.rel @p1 .LBB1_3-.Ltmp3, $4  }
0x49: {  	v2 =	vld [tilespmem:s22+$0x10];
	[tilespmem:s23+$0x3870 ss:$0x81] =	vst.msk $0xffff, v4  }
0x4a: {  	[tilespmem:s23+$0x810 ss:$0x81] =	vst.msk $0xffff, v5;
	v3 =	vld [tilespmem:s22+$0x20]  }
0x4b: {  	v0 =	vld [tilespmem:s22+$0xFFFFFFC0];
	[tilespmem:s23+$0x1020 ss:$0x81] =	vst.msk $0xffff, v6;
	s22 =	sadd.s32 $0x80, s22  }
0x4c: {  	s25 =	sadd.s32 $0x4, s25;
	v4 =	vld [tilespmem:s22+$0x30];
	[tilespmem:s23+$0x1830 ss:$0x81] =	vst.msk $0xffff, v7  }
.Ltmp4:
0x4d: {  	_ = 	snop;
	(pc) =	sbr.rel .LBB1_4-.Ltmp4, $1  }
0x4e: {  	_ =	sdelay $0x3  }
.LBB1_6:
0x4f: {  	_ =	sfence.sel $0x180000  }
0x50: {  	s1 =	simm.s32 $0x1;
	[bflag:$0x0] =	sbarrier.arrive $0xFFFF  }
0x51: {  	s31 =	simm.s32 $0x2;
	[sflag:s1] =	ssyncpa.u1 $0x1  }
0x52: {  	[sflag:s31] =	ssyncpa.u1 $0x1  }
0x53: {  	p0 =	sne.s32 s0, $0x0;
	_ =	strace $0x90000047  }
0x54: {  	s0 =	sadd.s32 @!p0 $0x100000, s2;
	[bflag:$0x2] =	sbarrier.arrive $0xFFFF  }
0x55: {  	[sflag:s0] =	ssyncadd.tile.s32 @!p0 $0x1;
	_ =	shalt  }
.Lfunc_end1:
_tile_overlayer_lowered:
.L_overlay_start_2:
0x56: {  	(tag) =	ssettag $0x2  }
0x57: {  	s0 =	rddreg [dreg:$0x0];
	s2 =	stileid.u32  }
0x58: {  	s1 =	rddreg [dreg:$0x1];
	p0 =	sne.s32 s2, $0x0  }
0x59: {  	s3 =	rddreg [dreg:$0x2];
	[bflag:$0x3] =	sbarrier.arrive $0xFFFF;
	s2 =	simm.s32 @!p0 $0x1C01  }
0x5a: {  	[timem:s3], [sflag:s2] =	dma.local @!p0 [hbm:s0], s1  }
0x5b: {  	s0 =	simm.s32 @!p0 $0x1  }
0x5c: {  	_ =	swait.ge @!p0 [sflag:s0], s1  }
0x5d: {  	s1 =	ssub.s32 @!p0 $0x0, s1;
	[sflag:s0] =	ssyncset.done @!p0 $0x0  }
0x5e: {  	[sflag:s0] =	ssyncadd.s32 @!p0 s1  }
0x5f: {  	[bflag:$0x3] =	sbarrier.arrive $0xFFFF  }
0x60: {  	_ =	shalt  }

</sc_bundles>
